<compile_context>
chip_gen: v7x
topology: tpu7x:2x2x1
jax: 0.10.2.dev20260603
libtpu: 0.0.44.dev20260713+nightly
codegen_flags: <defaults>
</compile_context>

<pallas_src>
import functools

import numpy as np
import jax
import jax.numpy as jnp
from jax import lax
from jax.experimental import pallas as pl
from jax.experimental.pallas import tpu as pltpu
from jax.experimental.pallas import tpu_sc as plsc

_VOCAB = 1_000_000
_D = 64
_H = 64
_J = 256
_B = 16384
_L = 50

_NC = 2
_NS = 16
_NW = _NC * _NS
_IPW = _B // _NW
_RPW = _IPW * _L
_CHUNK = 256
_NCH = _RPW // _CHUNK

_SEG_NP = (np.arange(_RPW, dtype=np.int32) // _L).reshape(_NCH, 1, _CHUNK)

_CB = 16384
_CBS = _CB.bit_length() - 1
_NBLK = (_VOCAB + 2 * _CB - 1) // (2 * _CB)
_VOCAB_PAD = 2 * _NBLK * _CB


def _sc_pool(x_flat, seg, table):
    mesh = plsc.VectorSubcoreMesh(core_axis_name="c", subcore_axis_name="s",
                                  num_cores=_NC, num_subcores=_NS)

    @functools.partial(
        pl.kernel,
        out_type=jax.ShapeDtypeStruct((_B, _D), jnp.float32),
        mesh=mesh,
        compiler_params=pltpu.CompilerParams(use_tc_tiling_on_sc=False),
        scratch_types=[
            pltpu.VMEM((_RPW,), jnp.int32),
            pltpu.VMEM((_NCH, 1, _CHUNK), jnp.int32),
            pltpu.VMEM_SHARED((_NS, _IPW, _D), jnp.float32),
            pltpu.VMEM((_CHUNK, _D), jnp.float32),
            pltpu.VMEM((_CHUNK, _D), jnp.float32),
            pltpu.SemaphoreType.DMA,
            pltpu.SemaphoreType.DMA,
        ],
    )
    def k(x_hbm, seg_hbm, table_hbm, out_hbm,
          idx_v, seg_v, acc_sh, r0, r1, g0, g1):
        cid = lax.axis_index("c")
        sid = lax.axis_index("s")
        wid = cid * _NS + sid
        base_row = wid * _RPW
        pltpu.sync_copy(x_hbm.at[pl.ds(base_row, _RPW)], idx_v)
        pltpu.sync_copy(seg_hbm, seg_v)
        acc_v = acc_sh.at[sid]

        zeros16 = jnp.zeros((16,), jnp.float32)

        @pl.loop(0, _CHUNK)
        def _(i):
            for c in range(_D // 16):
                r0[i, pl.ds(c * 16, 16)] = zeros16

        for z in range(_IPW // _CHUNK):
            pltpu.sync_copy(r0, acc_v.at[pl.ds(z * _CHUNK, _CHUNK)])

        rows = (r0, r1)
        gsem = (g0, g1)

        def start_gather(cc, b):
            pltpu.async_copy(
                table_hbm.at[idx_v.at[pl.ds(cc * _CHUNK, _CHUNK)]],
                rows[b], gsem[b])

        def finish(cc, b):
            pltpu.make_async_copy(
                table_hbm.at[idx_v.at[pl.ds(cc * _CHUNK, _CHUNK)]],
                rows[b], gsem[b]).wait()
            pltpu.sync_copy(rows[b], acc_v.at[seg_v.at[cc, 0]], add=True)

        start_gather(0, 0)
        start_gather(1, 1)

        @pl.loop(0, _NCH - 2, step=2)
        def _(c):
            for b in range(2):
                cc = c + b
                finish(cc, b)
                start_gather(cc + 2, b)

        finish(_NCH - 2, 0)
        finish(_NCH - 1, 1)

        pltpu.sync_copy(acc_v, out_hbm.at[pl.ds(wid * _IPW, _IPW)])

    return k(x_flat, seg, table)


def _tc_table_rows(table):
    tt = table.T

    def body(lo_ref, hi_ref, o_ref):
        o_ref[...] = jnp.concatenate(
            [lo_ref[...].T, hi_ref[...].T], axis=1)

    return pl.pallas_call(
        body,
        grid=(_NBLK,),
        in_specs=[
            pl.BlockSpec((_D, _CB),
                         lambda i: (0, jnp.minimum(2 * i, _VOCAB // _CB))),
            pl.BlockSpec((_D, _CB),
                         lambda i: (0, jnp.minimum(2 * i + 1, _VOCAB // _CB))),
        ],
        out_specs=pl.BlockSpec((_CB, 2 * _D), lambda i: (i, 0)),
        out_shape=jax.ShapeDtypeStruct((_NBLK * _CB, 2 * _D), jnp.float32),
        compiler_params=pltpu.CompilerParams(
            dimension_semantics=("parallel",),
            vmem_limit_bytes=100 * 1024 * 1024),
    )(tt, tt)


def _tc_mlp(pooled, w1t, b1, w2t, b2):
    blk = 4096

    def body(p_ref, w1_ref, b1_ref, w2_ref, b2_ref, o_ref):
        h = jnp.dot(p_ref[...], w1_ref[...],
                    preferred_element_type=jnp.float32,
                    precision=lax.Precision.HIGHEST)
        h = jnp.maximum(h + b1_ref[...], 0.0)
        o = jnp.dot(h, w2_ref[...], preferred_element_type=jnp.float32,
                    precision=lax.Precision.HIGHEST) + b2_ref[...]
        nrm = jnp.sqrt(jnp.sum(o * o, axis=1, keepdims=True))
        o_ref[...] = o / jnp.maximum(nrm, 1e-12)

    return pl.pallas_call(
        body,
        grid=(_B // blk,),
        in_specs=[
            pl.BlockSpec((blk, _D), lambda i: (i, 0)),
            pl.BlockSpec((_D, _H), lambda i: (0, 0)),
            pl.BlockSpec((1, _H), lambda i: (0, 0)),
            pl.BlockSpec((_H, _J), lambda i: (0, 0)),
            pl.BlockSpec((1, _J), lambda i: (0, 0)),
        ],
        out_specs=pl.BlockSpec((blk, _J), lambda i: (i, 0)),
        out_shape=jax.ShapeDtypeStruct((_B, _J), jnp.float32),
        compiler_params=pltpu.CompilerParams(
            dimension_semantics=("parallel",)),
    )(pooled, w1t, b1.reshape(1, _H), w2t, b2.reshape(1, _J))


def kernel(x, table, W1, b1, W2, b2):
    xi = x.astype(jnp.int32)
    xj = (((xi >> (_CBS + 1)) << (_CBS + 1))
          | ((xi & (_CB - 1)) << 1) | ((xi >> _CBS) & 1))
    x_flat = xj.reshape(-1)
    seg = jnp.asarray(_SEG_NP)
    table_rows = _tc_table_rows(table).reshape(_VOCAB_PAD, _D)
    pooled = _sc_pool(x_flat, seg, table_rows)
    return _tc_mlp(pooled, W1.T * (1.0 / _L), b1, W2.T, b2)

# --- scband reference (transcript-rebuilt; emitter-appended) ---
"""Pipeline reference for scband-text-encoder-73409581023339 (READ-ONLY COPY).

The authoritative reference and input builder live on the scoring server;
editing this copy changes nothing except your own understanding.
"""

import jax, jax.numpy as jnp
import numpy as np

VOCAB = 1000000
EMBED_DIM = 64
JOINT_EMBED_DIM = 256
BATCH = 16384
HIST = 50


def setup_inputs(seed: int = 0) -> dict:
    key = jax.random.key(seed)
    k1, k2, k3, k4, k5, k6 = jax.random.split(key, 6)
    x = jax.random.randint(k1, (BATCH, HIST), 0, VOCAB, dtype=jnp.int64 if jax.config.jax_enable_x64 else jnp.int32)
    table = jax.random.normal(k2, (VOCAB, EMBED_DIM), dtype=jnp.float32) * 0.02
    W1 = jax.random.normal(k3, (64, EMBED_DIM), dtype=jnp.float32) * (1.0 / np.sqrt(EMBED_DIM))
    b1 = jax.random.normal(k4, (64,), dtype=jnp.float32) * 0.01
    W2 = jax.random.normal(k5, (JOINT_EMBED_DIM, 64), dtype=jnp.float32) * (1.0 / np.sqrt(64))
    b2 = jax.random.normal(k6, (JOINT_EMBED_DIM,), dtype=jnp.float32) * 0.01
    return {"x": x, "table": table, "W1": W1, "b1": b1, "W2": W2, "b2": b2}


def reference(x, table, W1, b1, W2, b2):
    # embedding lookup: gather rows of the table
    emb = jnp.take(table, x, axis=0)            # [B, L, D]
    pooled = jnp.mean(emb, axis=1)              # [B, D]
    h = pooled @ W1.T + b1                      # [B, 64]
    h = jax.nn.relu(h)
    out = h @ W2.T + b2                         # [B, 256]
    # F.normalize(out, dim=-1) with eps=1e-12
    norm = jnp.linalg.norm(out, axis=-1, keepdims=True)
    out = out / jnp.maximum(norm, 1e-12)
    return out

if __name__ == "__main__":
    import jax
    _d = setup_inputs()
    print(jax.jit(kernel)(*tuple(_d.values())))

</pallas_src>

<mosaic_0001>
#map = affine_map<(d0, d1) -> (0)>
#map1 = affine_map<(d0, d1) -> (0, 0, 0)>
#map2 = affine_map<(d0, d1) -> (0, 0)>
module attributes {stable_mosaic.version = 14 : i64} {
  func.func @k(%arg0: i32, %arg1: i32, %arg2: memref<819200xi32, #tpu.memory_space<hbm>>, %arg3: memref<100x1x256xi32, #tpu.memory_space<hbm>>, %arg4: memref<1015808x64xf32, #tpu.memory_space<hbm>>, %arg5: memref<16384x64xf32, #tpu.memory_space<hbm>>, %arg6: memref<25600xi32, #tpu.memory_space<vmem>>, %arg7: memref<100x1x256xi32, #tpu.memory_space<vmem>>, %arg8: memref<16x512x64xf32, #tpu.memory_space<vmem_shared>>, %arg9: memref<256x64xf32, #tpu.memory_space<vmem>>, %arg10: memref<256x64xf32, #tpu.memory_space<vmem>>, %arg11: memref<!tpu.dma_semaphore, #tpu.memory_space<semaphore_mem>>, %arg12: memref<!tpu.dma_semaphore, #tpu.memory_space<semaphore_mem>>) attributes {dimension_semantics = [#tpu.dimension_semantics<core_parallel>, #tpu.dimension_semantics<subcore_parallel>], iteration_bounds = array<i64: 2, 16>, scalar_prefetch = 0 : i64, scratch_operands = 7 : i64, tpu.core_type = #tpu.core_type<sc_vector_subcore>, window_params = [{transform_indices = #map}, {transform_indices = #map1}, {transform_indices = #map2}, {transform_indices = #map2}]} {
    %mul3A = arith.constant 16 : i32
    %mul3A_0 = arith.muli %arg0, %mul3A : i32
    %add3A = arith.addi %mul3A_0, %arg1 : i32
    %mul3A_1 = arith.constant 25600 : i32
    %mul3A_2 = arith.muli %add3A, %mul3A_1 : i32
    "tpu.region"() ({
      %run_scoped3A_36 = tpu.sem_alloc : memref<!tpu.dma_semaphore, #tpu.memory_space<semaphore_mem>>
      %dma_start3A_37 = tpu.memref_slice %arg2[%mul3A_2] : memref<819200xi32, #tpu.memory_space<hbm>> -> memref<25600xi32, #tpu.memory_space<hbm>>
      %dma_start3A_38 = tpu.memref_slice %arg2[%mul3A_2] : memref<819200xi32, #tpu.memory_space<hbm>> -> memref<25600xi32, #tpu.memory_space<hbm>>
      tpu.enqueue_dma source(%dma_start3A_38 : memref<25600xi32, #tpu.memory_space<hbm>>) target(%arg6 : memref<25600xi32, #tpu.memory_space<vmem>>) target_semaphore(%run_scoped3A_36 : memref<!tpu.dma_semaphore, #tpu.memory_space<semaphore_mem>>)
      %dma_wait3A_39 = tpu.memref_slice %arg2[%mul3A_2] : memref<819200xi32, #tpu.memory_space<hbm>> -> memref<25600xi32, #tpu.memory_space<hbm>>
      %dma_wait3A_40 = tpu.memref_slice %arg2[%mul3A_2] : memref<819200xi32, #tpu.memory_space<hbm>> -> memref<25600xi32, #tpu.memory_space<hbm>>
      tpu.wait_dma2 semaphore(%run_scoped3A_36 : memref<!tpu.dma_semaphore, #tpu.memory_space<semaphore_mem>>) src(%dma_wait3A_40 : memref<25600xi32, #tpu.memory_space<hbm>>) dst(%arg6 : memref<25600xi32, #tpu.memory_space<vmem>>)
      tpu.yield
    }) : () -> ()
    "tpu.region"() ({
      %run_scoped3A_36 = tpu.sem_alloc : memref<!tpu.dma_semaphore, #tpu.memory_space<semaphore_mem>>
      tpu.enqueue_dma source(%arg3 : memref<100x1x256xi32, #tpu.memory_space<hbm>>) target(%arg7 : memref<100x1x256xi32, #tpu.memory_space<vmem>>) target_semaphore(%run_scoped3A_36 : memref<!tpu.dma_semaphore, #tpu.memory_space<semaphore_mem>>)
      tpu.wait_dma2 semaphore(%run_scoped3A_36 : memref<!tpu.dma_semaphore, #tpu.memory_space<semaphore_mem>>) src(%arg3 : memref<100x1x256xi32, #tpu.memory_space<hbm>>) dst(%arg7 : memref<100x1x256xi32, #tpu.memory_space<vmem>>)
      tpu.yield
    }) : () -> ()
    %broadcast_in_dim3A = arith.constant 0.000000e+00 : f32
    %broadcast_in_dim3A_3 = vector.broadcast %broadcast_in_dim3A : f32 to vector<16xf32>
    %scan3A = arith.constant 0 : i32
    %scan3A_4 = arith.constant 256 : i32
    %scan3A_5 = arith.addi %scan3A, %scan3A_4 : i32
    %scan3A_6 = arith.constant 1 : i32
    scf.for %scan3A_36 = %scan3A to %scan3A_5 step %scan3A_6  : i32 {
      %mul3A_37 = arith.constant 1 : i32
      %mul3A_38 = arith.muli %scan3A_36, %mul3A_37 : i32
      %add3A_39 = arith.constant 0 : i32
      %add3A_40 = arith.addi %add3A_39, %mul3A_38 : i32
      %swap3A = arith.index_cast %add3A_40 : i32 to index
      %swap3A_41 = arith.constant 0 : index
      %swap3A_42 = tpu.vector_load %arg9[%swap3A, %swap3A_41] {strides = array<i32>} : memref<256x64xf32, #tpu.memory_space<vmem>>, vector<1x16xf32>,
      %swap3A_43 = vector.shape_cast %swap3A_42 : vector<1x16xf32> to vector<16xf32>
      %swap3A_44 = vector.shape_cast %broadcast_in_dim3A_3 : vector<16xf32> to vector<1x16xf32>
      tpu.vector_store %arg9[%swap3A, %swap3A_41], %swap3A_44 {strides = array<i32>} : memref<256x64xf32, #tpu.memory_space<vmem>>, vector<1x16xf32>,
      %swap3A_45 = arith.index_cast %add3A_40 : i32 to index
      %swap3A_46 = arith.constant 16 : index
      %swap3A_47 = tpu.vector_load %arg9[%swap3A_45, %swap3A_46] {strides = array<i32>} : memref<256x64xf32, #tpu.memory_space<vmem>>, vector<1x16xf32>,
      %swap3A_48 = vector.shape_cast %swap3A_47 : vector<1x16xf32> to vector<16xf32>
      %swap3A_49 = vector.shape_cast %broadcast_in_dim3A_3 : vector<16xf32> to vector<1x16xf32>
      tpu.vector_store %arg9[%swap3A_45, %swap3A_46], %swap3A_49 {strides = array<i32>} : memref<256x64xf32, #tpu.memory_space<vmem>>, vector<1x16xf32>,
      %swap3A_50 = arith.index_cast %add3A_40 : i32 to index
      %swap3A_51 = arith.constant 32 : index
      %swap3A_52 = tpu.vector_load %arg9[%swap3A_50, %swap3A_51] {strides = array<i32>} : memref<256x64xf32, #tpu.memory_space<vmem>>, vector<1x16xf32>,
      %swap3A_53 = vector.shape_cast %swap3A_52 : vector<1x16xf32> to vector<16xf32>
      %swap3A_54 = vector.shape_cast %broadcast_in_dim3A_3 : vector<16xf32> to vector<1x16xf32>
      tpu.vector_store %arg9[%swap3A_50, %swap3A_51], %swap3A_54 {strides = array<i32>} : memref<256x64xf32, #tpu.memory_space<vmem>>, vector<1x16xf32>,
      %swap3A_55 = arith.index_cast %add3A_40 : i32 to index
      %swap3A_56 = arith.constant 48 : index
      %swap3A_57 = tpu.vector_load %arg9[%swap3A_55, %swap3A_56] {strides = array<i32>} : memref<256x64xf32, #tpu.memory_space<vmem>>, vector<1x16xf32>,
      %swap3A_58 = vector.shape_cast %swap3A_57 : vector<1x16xf32> to vector<16xf32>
      %swap3A_59 = vector.shape_cast %broadcast_in_dim3A_3 : vector<16xf32> to vector<1x16xf32>
      tpu.vector_store %arg9[%swap3A_55, %swap3A_56], %swap3A_59 {strides = array<i32>} : memref<256x64xf32, #tpu.memory_space<vmem>>, vector<1x16xf32>,
    }
    %scan3A_7 = arith.constant 256 : i32
    "tpu.region"() ({
      %run_scoped3A_36 = tpu.sem_alloc : memref<!tpu.dma_semaphore, #tpu.memory_space<semaphore_mem>>
      %dma_start3A_37 = arith.constant 0 : i32
      %dma_start3A_38 = arith.constant 0 : i32
      %dma_start3A_39 = tpu.memref_slice %arg8[%arg1, %dma_start3A_37, %dma_start3A_38] : memref<16x512x64xf32, #tpu.memory_space<vmem_shared>> -> memref<1x512x64xf32, #tpu.memory_space<vmem_shared>>
      %dma_start3A_40 = tpu.memref_squeeze %dma_start3A_39 : memref<1x512x64xf32, #tpu.memory_space<vmem_shared>> -> memref<512x64xf32, #tpu.memory_space<vmem_shared>>
      %dma_start3A_41 = arith.constant 0 : i32
      %dma_start3A_42 = arith.constant 0 : i32
      %dma_start3A_43 = tpu.memref_slice %dma_start3A_40[%dma_start3A_41, %dma_start3A_42] : memref<512x64xf32, #tpu.memory_space<vmem_shared>> -> memref<256x64xf32, #tpu.memory_space<vmem_shared>>
      %dma_start3A_44 = arith.constant 0 : i32
      %dma_start3A_45 = arith.constant 0 : i32
      %dma_start3A_46 = tpu.memref_slice %arg8[%arg1, %dma_start3A_44, %dma_start3A_45] : memref<16x512x64xf32, #tpu.memory_space<vmem_shared>> -> memref<1x512x64xf32, #tpu.memory_space<vmem_shared>>
      %dma_start3A_47 = tpu.memref_squeeze %dma_start3A_46 : memref<1x512x64xf32, #tpu.memory_space<vmem_shared>> -> memref<512x64xf32, #tpu.memory_space<vmem_shared>>
      %dma_start3A_48 = arith.constant 0 : i32
      %dma_start3A_49 = arith.constant 0 : i32
      %dma_start3A_50 = tpu.memref_slice %dma_start3A_47[%dma_start3A_48, %dma_start3A_49] : memref<512x64xf32, #tpu.memory_space<vmem_shared>> -> memref<256x64xf32, #tpu.memory_space<vmem_shared>>
      tpu.enqueue_dma source(%arg9 : memref<256x64xf32, #tpu.memory_space<vmem>>) target(%dma_start3A_50 : memref<256x64xf32, #tpu.memory_space<vmem_shared>>) target_semaphore(%run_scoped3A_36 : memref<!tpu.dma_semaphore, #tpu.memory_space<semaphore_mem>>)
      %dma_wait3A_51 = arith.constant 0 : i32
      %dma_wait3A_52 = arith.constant 0 : i32
      %dma_wait3A_53 = tpu.memref_slice %arg8[%arg1, %dma_wait3A_51, %dma_wait3A_52] : memref<16x512x64xf32, #tpu.memory_space<vmem_shared>> -> memref<1x512x64xf32, #tpu.memory_space<vmem_shared>>
      %dma_wait3A_54 = tpu.memref_squeeze %dma_wait3A_53 : memref<1x512x64xf32, #tpu.memory_space<vmem_shared>> -> memref<512x64xf32, #tpu.memory_space<vmem_shared>>
      %dma_wait3A_55 = arith.constant 0 : i32
      %dma_wait3A_56 = arith.constant 0 : i32
      %dma_wait3A_57 = tpu.memref_slice %dma_wait3A_54[%dma_wait3A_55, %dma_wait3A_56] : memref<512x64xf32, #tpu.memory_space<vmem_shared>> -> memref<256x64xf32, #tpu.memory_space<vmem_shared>>
      %dma_wait3A_58 = arith.constant 0 : i32
      %dma_wait3A_59 = arith.constant 0 : i32
      %dma_wait3A_60 = tpu.memref_slice %arg8[%arg1, %dma_wait3A_58, %dma_wait3A_59] : memref<16x512x64xf32, #tpu.memory_space<vmem_shared>> -> memref<1x512x64xf32, #tpu.memory_space<vmem_shared>>
      %dma_wait3A_61 = tpu.memref_squeeze %dma_wait3A_60 : memref<1x512x64xf32, #tpu.memory_space<vmem_shared>> -> memref<512x64xf32, #tpu.memory_space<vmem_shared>>
      %dma_wait3A_62 = arith.constant 0 : i32
      %dma_wait3A_63 = arith.constant 0 : i32
      %dma_wait3A_64 = tpu.memref_slice %dma_wait3A_61[%dma_wait3A_62, %dma_wait3A_63] : memref<512x64xf32, #tpu.memory_space<vmem_shared>> -> memref<256x64xf32, #tpu.memory_space<vmem_shared>>
      tpu.wait_dma2 semaphore(%run_scoped3A_36 : memref<!tpu.dma_semaphore, #tpu.memory_space<semaphore_mem>>) src(%arg9 : memref<256x64xf32, #tpu.memory_space<vmem>>) dst(%dma_wait3A_64 : memref<256x64xf32, #tpu.memory_space<vmem_shared>>)
      tpu.yield
    }) : () -> ()
    "tpu.region"() ({
      %run_scoped3A_36 = tpu.sem_alloc : memref<!tpu.dma_semaphore, #tpu.memory_space<semaphore_mem>>
      %dma_start3A_37 = arith.constant 0 : i32
      %dma_start3A_38 = arith.constant 0 : i32
      %dma_start3A_39 = tpu.memref_slice %arg8[%arg1, %dma_start3A_37, %dma_start3A_38] : memref<16x512x64xf32, #tpu.memory_space<vmem_shared>> -> memref<1x512x64xf32, #tpu.memory_space<vmem_shared>>
      %dma_start3A_40 = tpu.memref_squeeze %dma_start3A_39 : memref<1x512x64xf32, #tpu.memory_space<vmem_shared>> -> memref<512x64xf32, #tpu.memory_space<vmem_shared>>
      %dma_start3A_41 = arith.constant 256 : i32
      %dma_start3A_42 = arith.constant 0 : i32
      %dma_start3A_43 = tpu.memref_slice %dma_start3A_40[%dma_start3A_41, %dma_start3A_42] : memref<512x64xf32, #tpu.memory_space<vmem_shared>> -> memref<256x64xf32, #tpu.memory_space<vmem_shared>>
      %dma_start3A_44 = arith.constant 0 : i32
      %dma_start3A_45 = arith.constant 0 : i32
      %dma_start3A_46 = tpu.memref_slice %arg8[%arg1, %dma_start3A_44, %dma_start3A_45] : memref<16x512x64xf32, #tpu.memory_space<vmem_shared>> -> memref<1x512x64xf32, #tpu.memory_space<vmem_shared>>
      %dma_start3A_47 = tpu.memref_squeeze %dma_start3A_46 : memref<1x512x64xf32, #tpu.memory_space<vmem_shared>> -> memref<512x64xf32, #tpu.memory_space<vmem_shared>>
      %dma_start3A_48 = arith.constant 256 : i32
      %dma_start3A_49 = arith.constant 0 : i32
      %dma_start3A_50 = tpu.memref_slice %dma_start3A_47[%dma_start3A_48, %dma_start3A_49] : memref<512x64xf32, #tpu.memory_space<vmem_shared>> -> memref<256x64xf32, #tpu.memory_space<vmem_shared>>
      tpu.enqueue_dma source(%arg9 : memref<256x64xf32, #tpu.memory_space<vmem>>) target(%dma_start3A_50 : memref<256x64xf32, #tpu.memory_space<vmem_shared>>) target_semaphore(%run_scoped3A_36 : memref<!tpu.dma_semaphore, #tpu.memory_space<semaphore_mem>>)
      %dma_wait3A_51 = arith.constant 0 : i32
      %dma_wait3A_52 = arith.constant 0 : i32
      %dma_wait3A_53 = tpu.memref_slice %arg8[%arg1, %dma_wait3A_51, %dma_wait3A_52] : memref<16x512x64xf32, #tpu.memory_space<vmem_shared>> -> memref<1x512x64xf32, #tpu.memory_space<vmem_shared>>
      %dma_wait3A_54 = tpu.memref_squeeze %dma_wait3A_53 : memref<1x512x64xf32, #tpu.memory_space<vmem_shared>> -> memref<512x64xf32, #tpu.memory_space<vmem_shared>>
      %dma_wait3A_55 = arith.constant 256 : i32
      %dma_wait3A_56 = arith.constant 0 : i32
      %dma_wait3A_57 = tpu.memref_slice %dma_wait3A_54[%dma_wait3A_55, %dma_wait3A_56] : memref<512x64xf32, #tpu.memory_space<vmem_shared>> -> memref<256x64xf32, #tpu.memory_space<vmem_shared>>
      %dma_wait3A_58 = arith.constant 0 : i32
      %dma_wait3A_59 = arith.constant 0 : i32
      %dma_wait3A_60 = tpu.memref_slice %arg8[%arg1, %dma_wait3A_58, %dma_wait3A_59] : memref<16x512x64xf32, #tpu.memory_space<vmem_shared>> -> memref<1x512x64xf32, #tpu.memory_space<vmem_shared>>
      %dma_wait3A_61 = tpu.memref_squeeze %dma_wait3A_60 : memref<1x512x64xf32, #tpu.memory_space<vmem_shared>> -> memref<512x64xf32, #tpu.memory_space<vmem_shared>>
      %dma_wait3A_62 = arith.constant 256 : i32
      %dma_wait3A_63 = arith.constant 0 : i32
      %dma_wait3A_64 = tpu.memref_slice %dma_wait3A_61[%dma_wait3A_62, %dma_wait3A_63] : memref<512x64xf32, #tpu.memory_space<vmem_shared>> -> memref<256x64xf32, #tpu.memory_space<vmem_shared>>
      tpu.wait_dma2 semaphore(%run_scoped3A_36 : memref<!tpu.dma_semaphore, #tpu.memory_space<semaphore_mem>>) src(%arg9 : memref<256x64xf32, #tpu.memory_space<vmem>>) dst(%dma_wait3A_64 : memref<256x64xf32, #tpu.memory_space<vmem_shared>>)
      tpu.yield
    }) : () -> ()
    %dma_start3A = arith.constant 0 : i32
    %dma_start3A_8 = tpu.memref_slice %arg6[%dma_start3A] : memref<25600xi32, #tpu.memory_space<vmem>> -> memref<256xi32, #tpu.memory_space<vmem>>
    %dma_start3A_9 = arith.constant 0 : i32
    %dma_start3A_10 = arith.constant 0 : i32
    %dma_start3A_11 = tpu.memref_slice %arg4[%dma_start3A_9, %dma_start3A_10] : memref<1015808x64xf32, #tpu.memory_space<hbm>> -> memref<1015808x64xf32, #tpu.memory_space<hbm>>
    tpu.enqueue_indirect_dma source(%dma_start3A_11 : memref<1015808x64xf32, #tpu.memory_space<hbm>>) target(%arg9 : memref<256x64xf32, #tpu.memory_space<vmem>>) offsets(%dma_start3A_8 : memref<256xi32, #tpu.memory_space<vmem>>) semaphore(%arg11 : memref<!tpu.dma_semaphore, #tpu.memory_space<semaphore_mem>>)
    %dma_start3A_12 = arith.constant 256 : i32
    %dma_start3A_13 = tpu.memref_slice %arg6[%dma_start3A_12] : memref<25600xi32, #tpu.memory_space<vmem>> -> memref<256xi32, #tpu.memory_space<vmem>>
    %dma_start3A_14 = arith.constant 0 : i32
    %dma_start3A_15 = arith.constant 0 : i32
    %dma_start3A_16 = tpu.memref_slice %arg4[%dma_start3A_14, %dma_start3A_15] : memref<1015808x64xf32, #tpu.memory_space<hbm>> -> memref<1015808x64xf32, #tpu.memory_space<hbm>>
    tpu.enqueue_indirect_dma source(%dma_start3A_16 : memref<1015808x64xf32, #tpu.memory_space<hbm>>) target(%arg10 : memref<256x64xf32, #tpu.memory_space<vmem>>) offsets(%dma_start3A_13 : memref<256xi32, #tpu.memory_space<vmem>>) semaphore(%arg12 : memref<!tpu.dma_semaphore, #tpu.memory_space<semaphore_mem>>)
    %scan3A_17 = arith.constant 0 : i32
    %scan3A_18 = arith.constant 49 : i32
    %scan3A_19 = arith.addi %scan3A_17, %scan3A_18 : i32
    %scan3A_20 = arith.constant 1 : i32
    scf.for %scan3A_36 = %scan3A_17 to %scan3A_19 step %scan3A_20  : i32 {
      %mul3A_37 = arith.constant 2 : i32
      %mul3A_38 = arith.muli %scan3A_36, %mul3A_37 : i32
      %add3A_39 = arith.constant 0 : i32
      %add3A_40 = arith.addi %add3A_39, %mul3A_38 : i32
      %add3A_41 = arith.constant 0 : i32
      %add3A_42 = arith.addi %add3A_40, %add3A_41 : i32
      %mul3A_43 = arith.constant 256 : i32
      %mul3A_44 = arith.muli %add3A_42, %mul3A_43 : i32
      %dma_wait3A_45 = tpu.memref_slice %arg6[%mul3A_44] : memref<25600xi32, #tpu.memory_space<vmem>> -> memref<256xi32, #tpu.memory_space<vmem>>
      %dma_wait3A_46 = arith.constant 0 : i32
      %dma_wait3A_47 = arith.constant 0 : i32
      %dma_wait3A_48 = tpu.memref_slice %arg4[%dma_wait3A_46, %dma_wait3A_47] : memref<1015808x64xf32, #tpu.memory_space<hbm>> -> memref<1015808x64xf32, #tpu.memory_space<hbm>>
      tpu.wait_indirect_dma semaphore(%arg11 : memref<!tpu.dma_semaphore, #tpu.memory_space<semaphore_mem>>) src(%dma_wait3A_48 : memref<1015808x64xf32, #tpu.memory_space<hbm>>) dst(%arg9 : memref<256x64xf32, #tpu.memory_space<vmem>>)
      %run_scoped3A_49 = arith.constant 0 : i32
      "tpu.region"() ({
        %run_scoped3A_75 = tpu.sem_alloc : memref<!tpu.dma_semaphore, #tpu.memory_space<semaphore_mem>>
        %dma_start3A_76 = arith.constant 0 : i32
        %dma_start3A_77 = tpu.memref_slice %arg7[%add3A_42, %run_scoped3A_49, %dma_start3A_76] : memref<100x1x256xi32, #tpu.memory_space<vmem>> -> memref<1x1x256xi32, #tpu.memory_space<vmem>>
        %dma_start3A_78 = tpu.memref_squeeze %dma_start3A_77 : memref<1x1x256xi32, #tpu.memory_space<vmem>> -> memref<256xi32, #tpu.memory_space<vmem>>
        %dma_start3A_79 = arith.constant 0 : i32
        %dma_start3A_80 = arith.constant 0 : i32
        %dma_start3A_81 = tpu.memref_slice %arg8[%arg1, %dma_start3A_79, %dma_start3A_80] : memref<16x512x64xf32, #tpu.memory_space<vmem_shared>> -> memref<1x512x64xf32, #tpu.memory_space<vmem_shared>>
        %dma_start3A_82 = tpu.memref_squeeze %dma_start3A_81 : memref<1x512x64xf32, #tpu.memory_space<vmem_shared>> -> memref<512x64xf32, #tpu.memory_space<vmem_shared>>
        %dma_start3A_83 = arith.constant 0 : i32
        %dma_start3A_84 = arith.constant 0 : i32
        %dma_start3A_85 = tpu.memref_slice %dma_start3A_82[%dma_start3A_83, %dma_start3A_84] : memref<512x64xf32, #tpu.memory_space<vmem_shared>> -> memref<512x64xf32, #tpu.memory_space<vmem_shared>>
        tpu.enqueue_indirect_dma source(%arg9 : memref<256x64xf32, #tpu.memory_space<vmem>>) target(%dma_start3A_85 : memref<512x64xf32, #tpu.memory_space<vmem_shared>>) offsets(%dma_start3A_78 : memref<256xi32, #tpu.memory_space<vmem>>) semaphore(%run_scoped3A_75 : memref<!tpu.dma_semaphore, #tpu.memory_space<semaphore_mem>>) {add = true}
        %dma_wait3A_86 = arith.constant 0 : i32
        %dma_wait3A_87 = tpu.memref_slice %arg7[%add3A_42, %run_scoped3A_49, %dma_wait3A_86] : memref<100x1x256xi32, #tpu.memory_space<vmem>> -> memref<1x1x256xi32, #tpu.memory_space<vmem>>
        %dma_wait3A_88 = tpu.memref_squeeze %dma_wait3A_87 : memref<1x1x256xi32, #tpu.memory_space<vmem>> -> memref<256xi32, #tpu.memory_space<vmem>>
        %dma_wait3A_89 = arith.constant 0 : i32
        %dma_wait3A_90 = arith.constant 0 : i32
        %dma_wait3A_91 = tpu.memref_slice %arg8[%arg1, %dma_wait3A_89, %dma_wait3A_90] : memref<16x512x64xf32, #tpu.memory_space<vmem_shared>> -> memref<1x512x64xf32, #tpu.memory_space<vmem_shared>>
        %dma_wait3A_92 = tpu.memref_squeeze %dma_wait3A_91 : memref<1x512x64xf32, #tpu.memory_space<vmem_shared>> -> memref<512x64xf32, #tpu.memory_space<vmem_shared>>
        %dma_wait3A_93 = arith.constant 0 : i32
        %dma_wait3A_94 = arith.constant 0 : i32
        %dma_wait3A_95 = tpu.memref_slice %dma_wait3A_92[%dma_wait3A_93, %dma_wait3A_94] : memref<512x64xf32, #tpu.memory_space<vmem_shared>> -> memref<512x64xf32, #tpu.memory_space<vmem_shared>>
        tpu.wait_indirect_dma semaphore(%run_scoped3A_75 : memref<!tpu.dma_semaphore, #tpu.memory_space<semaphore_mem>>) src(%arg9 : memref<256x64xf32, #tpu.memory_space<vmem>>) dst(%dma_wait3A_95 : memref<512x64xf32, #tpu.memory_space<vmem_shared>>)
        tpu.yield
      }) : () -> ()
      %add3A_50 = arith.constant 2 : i32
      %add3A_51 = arith.addi %add3A_42, %add3A_50 : i32
      %mul3A_52 = arith.constant 256 : i32
      %mul3A_53 = arith.muli %add3A_51, %mul3A_52 : i32
      %dma_start3A_54 = tpu.memref_slice %arg6[%mul3A_53] : memref<25600xi32, #tpu.memory_space<vmem>> -> memref<256xi32, #tpu.memory_space<vmem>>
      %dma_start3A_55 = arith.constant 0 : i32
      %dma_start3A_56 = arith.constant 0 : i32
      %dma_start3A_57 = tpu.memref_slice %arg4[%dma_start3A_55, %dma_start3A_56] : memref<1015808x64xf32, #tpu.memory_space<hbm>> -> memref<1015808x64xf32, #tpu.memory_space<hbm>>
      tpu.enqueue_indirect_dma source(%dma_start3A_57 : memref<1015808x64xf32, #tpu.memory_space<hbm>>) target(%arg9 : memref<256x64xf32, #tpu.memory_space<vmem>>) offsets(%dma_start3A_54 : memref<256xi32, #tpu.memory_space<vmem>>) semaphore(%arg11 : memref<!tpu.dma_semaphore, #tpu.memory_space<semaphore_mem>>)
      %add3A_58 = arith.constant 1 : i32
      %add3A_59 = arith.addi %add3A_40, %add3A_58 : i32
      %mul3A_60 = arith.constant 256 : i32
      %mul3A_61 = arith.muli %add3A_59, %mul3A_60 : i32
      %dma_wait3A_62 = tpu.memref_slice %arg6[%mul3A_61] : memref<25600xi32, #tpu.memory_space<vmem>> -> memref<256xi32, #tpu.memory_space<vmem>>
      %dma_wait3A_63 = arith.constant 0 : i32
      %dma_wait3A_64 = arith.constant 0 : i32
      %dma_wait3A_65 = tpu.memref_slice %arg4[%dma_wait3A_63, %dma_wait3A_64] : memref<1015808x64xf32, #tpu.memory_space<hbm>> -> memref<1015808x64xf32, #tpu.memory_space<hbm>>
      tpu.wait_indirect_dma semaphore(%arg12 : memref<!tpu.dma_semaphore, #tpu.memory_space<semaphore_mem>>) src(%dma_wait3A_65 : memref<1015808x64xf32, #tpu.memory_space<hbm>>) dst(%arg10 : memref<256x64xf32, #tpu.memory_space<vmem>>)
      %run_scoped3A_66 = arith.constant 0 : i32
      "tpu.region"() ({
        %run_scoped3A_75 = tpu.sem_alloc : memref<!tpu.dma_semaphore, #tpu.memory_space<semaphore_mem>>
        %dma_start3A_76 = arith.constant 0 : i32
        %dma_start3A_77 = tpu.memref_slice %arg7[%add3A_59, %run_scoped3A_66, %dma_start3A_76] : memref<100x1x256xi32, #tpu.memory_space<vmem>> -> memref<1x1x256xi32, #tpu.memory_space<vmem>>
        %dma_start3A_78 = tpu.memref_squeeze %dma_start3A_77 : memref<1x1x256xi32, #tpu.memory_space<vmem>> -> memref<256xi32, #tpu.memory_space<vmem>>
        %dma_start3A_79 = arith.constant 0 : i32
        %dma_start3A_80 = arith.constant 0 : i32
        %dma_start3A_81 = tpu.memref_slice %arg8[%arg1, %dma_start3A_79, %dma_start3A_80] : memref<16x512x64xf32, #tpu.memory_space<vmem_shared>> -> memref<1x512x64xf32, #tpu.memory_space<vmem_shared>>
        %dma_start3A_82 = tpu.memref_squeeze %dma_start3A_81 : memref<1x512x64xf32, #tpu.memory_space<vmem_shared>> -> memref<512x64xf32, #tpu.memory_space<vmem_shared>>
        %dma_start3A_83 = arith.constant 0 : i32
        %dma_start3A_84 = arith.constant 0 : i32
        %dma_start3A_85 = tpu.memref_slice %dma_start3A_82[%dma_start3A_83, %dma_start3A_84] : memref<512x64xf32, #tpu.memory_space<vmem_shared>> -> memref<512x64xf32, #tpu.memory_space<vmem_shared>>
        tpu.enqueue_indirect_dma source(%arg10 : memref<256x64xf32, #tpu.memory_space<vmem>>) target(%dma_start3A_85 : memref<512x64xf32, #tpu.memory_space<vmem_shared>>) offsets(%dma_start3A_78 : memref<256xi32, #tpu.memory_space<vmem>>) semaphore(%run_scoped3A_75 : memref<!tpu.dma_semaphore, #tpu.memory_space<semaphore_mem>>) {add = true}
        %dma_wait3A_86 = arith.constant 0 : i32
        %dma_wait3A_87 = tpu.memref_slice %arg7[%add3A_59, %run_scoped3A_66, %dma_wait3A_86] : memref<100x1x256xi32, #tpu.memory_space<vmem>> -> memref<1x1x256xi32, #tpu.memory_space<vmem>>
        %dma_wait3A_88 = tpu.memref_squeeze %dma_wait3A_87 : memref<1x1x256xi32, #tpu.memory_space<vmem>> -> memref<256xi32, #tpu.memory_space<vmem>>
        %dma_wait3A_89 = arith.constant 0 : i32
        %dma_wait3A_90 = arith.constant 0 : i32
        %dma_wait3A_91 = tpu.memref_slice %arg8[%arg1, %dma_wait3A_89, %dma_wait3A_90] : memref<16x512x64xf32, #tpu.memory_space<vmem_shared>> -> memref<1x512x64xf32, #tpu.memory_space<vmem_shared>>
        %dma_wait3A_92 = tpu.memref_squeeze %dma_wait3A_91 : memref<1x512x64xf32, #tpu.memory_space<vmem_shared>> -> memref<512x64xf32, #tpu.memory_space<vmem_shared>>
        %dma_wait3A_93 = arith.constant 0 : i32
        %dma_wait3A_94 = arith.constant 0 : i32
        %dma_wait3A_95 = tpu.memref_slice %dma_wait3A_92[%dma_wait3A_93, %dma_wait3A_94] : memref<512x64xf32, #tpu.memory_space<vmem_shared>> -> memref<512x64xf32, #tpu.memory_space<vmem_shared>>
        tpu.wait_indirect_dma semaphore(%run_scoped3A_75 : memref<!tpu.dma_semaphore, #tpu.memory_space<semaphore_mem>>) src(%arg10 : memref<256x64xf32, #tpu.memory_space<vmem>>) dst(%dma_wait3A_95 : memref<512x64xf32, #tpu.memory_space<vmem_shared>>)
        tpu.yield
      }) : () -> ()
      %add3A_67 = arith.constant 2 : i32
      %add3A_68 = arith.addi %add3A_59, %add3A_67 : i32
      %mul3A_69 = arith.constant 256 : i32
      %mul3A_70 = arith.muli %add3A_68, %mul3A_69 : i32
      %dma_start3A_71 = tpu.memref_slice %arg6[%mul3A_70] : memref<25600xi32, #tpu.memory_space<vmem>> -> memref<256xi32, #tpu.memory_space<vmem>>
      %dma_start3A_72 = arith.constant 0 : i32
      %dma_start3A_73 = arith.constant 0 : i32
      %dma_start3A_74 = tpu.memref_slice %arg4[%dma_start3A_72, %dma_start3A_73] : memref<1015808x64xf32, #tpu.memory_space<hbm>> -> memref<1015808x64xf32, #tpu.memory_space<hbm>>
      tpu.enqueue_indirect_dma source(%dma_start3A_74 : memref<1015808x64xf32, #tpu.memory_space<hbm>>) target(%arg10 : memref<256x64xf32, #tpu.memory_space<vmem>>) offsets(%dma_start3A_71 : memref<256xi32, #tpu.memory_space<vmem>>) semaphore(%arg12 : memref<!tpu.dma_semaphore, #tpu.memory_space<semaphore_mem>>)
    }
    %scan3A_21 = arith.constant 49 : i32
    %dma_wait3A = arith.constant 25088 : i32
    %dma_wait3A_22 = tpu.memref_slice %arg6[%dma_wait3A] : memref<25600xi32, #tpu.memory_space<vmem>> -> memref<256xi32, #tpu.memory_space<vmem>>
    %dma_wait3A_23 = arith.constant 0 : i32
    %dma_wait3A_24 = arith.constant 0 : i32
    %dma_wait3A_25 = tpu.memref_slice %arg4[%dma_wait3A_23, %dma_wait3A_24] : memref<1015808x64xf32, #tpu.memory_space<hbm>> -> memref<1015808x64xf32, #tpu.memory_space<hbm>>
    tpu.wait_indirect_dma semaphore(%arg11 : memref<!tpu.dma_semaphore, #tpu.memory_space<semaphore_mem>>) src(%dma_wait3A_25 : memref<1015808x64xf32, #tpu.memory_space<hbm>>) dst(%arg9 : memref<256x64xf32, #tpu.memory_space<vmem>>)
    %run_scoped3A = arith.constant 98 : i32
    %run_scoped3A_26 = arith.constant 0 : i32
    "tpu.region"() ({
      %run_scoped3A_36 = tpu.sem_alloc : memref<!tpu.dma_semaphore, #tpu.memory_space<semaphore_mem>>
      %dma_start3A_37 = arith.constant 0 : i32
      %dma_start3A_38 = tpu.memref_slice %arg7[%run_scoped3A, %run_scoped3A_26, %dma_start3A_37] : memref<100x1x256xi32, #tpu.memory_space<vmem>> -> memref<1x1x256xi32, #tpu.memory_space<vmem>>
      %dma_start3A_39 = tpu.memref_squeeze %dma_start3A_38 : memref<1x1x256xi32, #tpu.memory_space<vmem>> -> memref<256xi32, #tpu.memory_space<vmem>>
      %dma_start3A_40 = arith.constant 0 : i32
      %dma_start3A_41 = arith.constant 0 : i32
      %dma_start3A_42 = tpu.memref_slice %arg8[%arg1, %dma_start3A_40, %dma_start3A_41] : memref<16x512x64xf32, #tpu.memory_space<vmem_shared>> -> memref<1x512x64xf32, #tpu.memory_space<vmem_shared>>
      %dma_start3A_43 = tpu.memref_squeeze %dma_start3A_42 : memref<1x512x64xf32, #tpu.memory_space<vmem_shared>> -> memref<512x64xf32, #tpu.memory_space<vmem_shared>>
      %dma_start3A_44 = arith.constant 0 : i32
      %dma_start3A_45 = arith.constant 0 : i32
      %dma_start3A_46 = tpu.memref_slice %dma_start3A_43[%dma_start3A_44, %dma_start3A_45] : memref<512x64xf32, #tpu.memory_space<vmem_shared>> -> memref<512x64xf32, #tpu.memory_space<vmem_shared>>
      tpu.enqueue_indirect_dma source(%arg9 : memref<256x64xf32, #tpu.memory_space<vmem>>) target(%dma_start3A_46 : memref<512x64xf32, #tpu.memory_space<vmem_shared>>) offsets(%dma_start3A_39 : memref<256xi32, #tpu.memory_space<vmem>>) semaphore(%run_scoped3A_36 : memref<!tpu.dma_semaphore, #tpu.memory_space<semaphore_mem>>) {add = true}
      %dma_wait3A_47 = arith.constant 0 : i32
      %dma_wait3A_48 = tpu.memref_slice %arg7[%run_scoped3A, %run_scoped3A_26, %dma_wait3A_47] : memref<100x1x256xi32, #tpu.memory_space<vmem>> -> memref<1x1x256xi32, #tpu.memory_space<vmem>>
      %dma_wait3A_49 = tpu.memref_squeeze %dma_wait3A_48 : memref<1x1x256xi32, #tpu.memory_space<vmem>> -> memref<256xi32, #tpu.memory_space<vmem>>
      %dma_wait3A_50 = arith.constant 0 : i32
      %dma_wait3A_51 = arith.constant 0 : i32
      %dma_wait3A_52 = tpu.memref_slice %arg8[%arg1, %dma_wait3A_50, %dma_wait3A_51] : memref<16x512x64xf32, #tpu.memory_space<vmem_shared>> -> memref<1x512x64xf32, #tpu.memory_space<vmem_shared>>
      %dma_wait3A_53 = tpu.memref_squeeze %dma_wait3A_52 : memref<1x512x64xf32, #tpu.memory_space<vmem_shared>> -> memref<512x64xf32, #tpu.memory_space<vmem_shared>>
      %dma_wait3A_54 = arith.constant 0 : i32
      %dma_wait3A_55 = arith.constant 0 : i32
      %dma_wait3A_56 = tpu.memref_slice %dma_wait3A_53[%dma_wait3A_54, %dma_wait3A_55] : memref<512x64xf32, #tpu.memory_space<vmem_shared>> -> memref<512x64xf32, #tpu.memory_space<vmem_shared>>
      tpu.wait_indirect_dma semaphore(%run_scoped3A_36 : memref<!tpu.dma_semaphore, #tpu.memory_space<semaphore_mem>>) src(%arg9 : memref<256x64xf32, #tpu.memory_space<vmem>>) dst(%dma_wait3A_56 : memref<512x64xf32, #tpu.memory_space<vmem_shared>>)
      tpu.yield
    }) : () -> ()
    %dma_wait3A_27 = arith.constant 25344 : i32
    %dma_wait3A_28 = tpu.memref_slice %arg6[%dma_wait3A_27] : memref<25600xi32, #tpu.memory_space<vmem>> -> memref<256xi32, #tpu.memory_space<vmem>>
    %dma_wait3A_29 = arith.constant 0 : i32
    %dma_wait3A_30 = arith.constant 0 : i32
    %dma_wait3A_31 = tpu.memref_slice %arg4[%dma_wait3A_29, %dma_wait3A_30] : memref<1015808x64xf32, #tpu.memory_space<hbm>> -> memref<1015808x64xf32, #tpu.memory_space<hbm>>
    tpu.wait_indirect_dma semaphore(%arg12 : memref<!tpu.dma_semaphore, #tpu.memory_space<semaphore_mem>>) src(%dma_wait3A_31 : memref<1015808x64xf32, #tpu.memory_space<hbm>>) dst(%arg10 : memref<256x64xf32, #tpu.memory_space<vmem>>)
    %run_scoped3A_32 = arith.constant 99 : i32
    %run_scoped3A_33 = arith.constant 0 : i32
    "tpu.region"() ({
      %run_scoped3A_36 = tpu.sem_alloc : memref<!tpu.dma_semaphore, #tpu.memory_space<semaphore_mem>>
      %dma_start3A_37 = arith.constant 0 : i32
      %dma_start3A_38 = tpu.memref_slice %arg7[%run_scoped3A_32, %run_scoped3A_33, %dma_start3A_37] : memref<100x1x256xi32, #tpu.memory_space<vmem>> -> memref<1x1x256xi32, #tpu.memory_space<vmem>>
      %dma_start3A_39 = tpu.memref_squeeze %dma_start3A_38 : memref<1x1x256xi32, #tpu.memory_space<vmem>> -> memref<256xi32, #tpu.memory_space<vmem>>
      %dma_start3A_40 = arith.constant 0 : i32
      %dma_start3A_41 = arith.constant 0 : i32
      %dma_start3A_42 = tpu.memref_slice %arg8[%arg1, %dma_start3A_40, %dma_start3A_41] : memref<16x512x64xf32, #tpu.memory_space<vmem_shared>> -> memref<1x512x64xf32, #tpu.memory_space<vmem_shared>>
      %dma_start3A_43 = tpu.memref_squeeze %dma_start3A_42 : memref<1x512x64xf32, #tpu.memory_space<vmem_shared>> -> memref<512x64xf32, #tpu.memory_space<vmem_shared>>
      %dma_start3A_44 = arith.constant 0 : i32
      %dma_start3A_45 = arith.constant 0 : i32
      %dma_start3A_46 = tpu.memref_slice %dma_start3A_43[%dma_start3A_44, %dma_start3A_45] : memref<512x64xf32, #tpu.memory_space<vmem_shared>> -> memref<512x64xf32, #tpu.memory_space<vmem_shared>>
      tpu.enqueue_indirect_dma source(%arg10 : memref<256x64xf32, #tpu.memory_space<vmem>>) target(%dma_start3A_46 : memref<512x64xf32, #tpu.memory_space<vmem_shared>>) offsets(%dma_start3A_39 : memref<256xi32, #tpu.memory_space<vmem>>) semaphore(%run_scoped3A_36 : memref<!tpu.dma_semaphore, #tpu.memory_space<semaphore_mem>>) {add = true}
      %dma_wait3A_47 = arith.constant 0 : i32
      %dma_wait3A_48 = tpu.memref_slice %arg7[%run_scoped3A_32, %run_scoped3A_33, %dma_wait3A_47] : memref<100x1x256xi32, #tpu.memory_space<vmem>> -> memref<1x1x256xi32, #tpu.memory_space<vmem>>
      %dma_wait3A_49 = tpu.memref_squeeze %dma_wait3A_48 : memref<1x1x256xi32, #tpu.memory_space<vmem>> -> memref<256xi32, #tpu.memory_space<vmem>>
      %dma_wait3A_50 = arith.constant 0 : i32
      %dma_wait3A_51 = arith.constant 0 : i32
      %dma_wait3A_52 = tpu.memref_slice %arg8[%arg1, %dma_wait3A_50, %dma_wait3A_51] : memref<16x512x64xf32, #tpu.memory_space<vmem_shared>> -> memref<1x512x64xf32, #tpu.memory_space<vmem_shared>>
      %dma_wait3A_53 = tpu.memref_squeeze %dma_wait3A_52 : memref<1x512x64xf32, #tpu.memory_space<vmem_shared>> -> memref<512x64xf32, #tpu.memory_space<vmem_shared>>
      %dma_wait3A_54 = arith.constant 0 : i32
      %dma_wait3A_55 = arith.constant 0 : i32
      %dma_wait3A_56 = tpu.memref_slice %dma_wait3A_53[%dma_wait3A_54, %dma_wait3A_55] : memref<512x64xf32, #tpu.memory_space<vmem_shared>> -> memref<512x64xf32, #tpu.memory_space<vmem_shared>>
      tpu.wait_indirect_dma semaphore(%run_scoped3A_36 : memref<!tpu.dma_semaphore, #tpu.memory_space<semaphore_mem>>) src(%arg10 : memref<256x64xf32, #tpu.memory_space<vmem>>) dst(%dma_wait3A_56 : memref<512x64xf32, #tpu.memory_space<vmem_shared>>)
      tpu.yield
    }) : () -> ()
    %mul3A_34 = arith.constant 512 : i32
    %mul3A_35 = arith.muli %add3A, %mul3A_34 : i32
    "tpu.region"() ({
      %run_scoped3A_36 = tpu.sem_alloc : memref<!tpu.dma_semaphore, #tpu.memory_space<semaphore_mem>>
      %dma_start3A_37 = arith.constant 0 : i32
      %dma_start3A_38 = tpu.memref_slice %arg5[%mul3A_35, %dma_start3A_37] : memref<16384x64xf32, #tpu.memory_space<hbm>> -> memref<512x64xf32, #tpu.memory_space<hbm>>
      %dma_start3A_39 = arith.constant 0 : i32
      %dma_start3A_40 = arith.constant 0 : i32
      %dma_start3A_41 = tpu.memref_slice %arg8[%arg1, %dma_start3A_39, %dma_start3A_40] : memref<16x512x64xf32, #tpu.memory_space<vmem_shared>> -> memref<1x512x64xf32, #tpu.memory_space<vmem_shared>>
      %dma_start3A_42 = tpu.memref_squeeze %dma_start3A_41 : memref<1x512x64xf32, #tpu.memory_space<vmem_shared>> -> memref<512x64xf32, #tpu.memory_space<vmem_shared>>
      tpu.enqueue_dma source(%dma_start3A_42 : memref<512x64xf32, #tpu.memory_space<vmem_shared>>) target(%dma_start3A_38 : memref<512x64xf32, #tpu.memory_space<hbm>>) target_semaphore(%run_scoped3A_36 : memref<!tpu.dma_semaphore, #tpu.memory_space<semaphore_mem>>)
      %dma_wait3A_43 = arith.constant 0 : i32
      %dma_wait3A_44 = tpu.memref_slice %arg5[%mul3A_35, %dma_wait3A_43] : memref<16384x64xf32, #tpu.memory_space<hbm>> -> memref<512x64xf32, #tpu.memory_space<hbm>>
      %dma_wait3A_45 = arith.constant 0 : i32
      %dma_wait3A_46 = arith.constant 0 : i32
      %dma_wait3A_47 = tpu.memref_slice %arg8[%arg1, %dma_wait3A_45, %dma_wait3A_46] : memref<16x512x64xf32, #tpu.memory_space<vmem_shared>> -> memref<1x512x64xf32, #tpu.memory_space<vmem_shared>>
      %dma_wait3A_48 = tpu.memref_squeeze %dma_wait3A_47 : memref<1x512x64xf32, #tpu.memory_space<vmem_shared>> -> memref<512x64xf32, #tpu.memory_space<vmem_shared>>
      tpu.wait_dma2 semaphore(%run_scoped3A_36 : memref<!tpu.dma_semaphore, #tpu.memory_space<semaphore_mem>>) src(%dma_wait3A_48 : memref<512x64xf32, #tpu.memory_space<vmem_shared>>) dst(%dma_wait3A_44 : memref<512x64xf32, #tpu.memory_space<hbm>>)
      tpu.yield
    }) : () -> ()
    return
  }
}

module attributes {stable_mosaic.version = 14 : i64} {
  func.func @body(%arg0: i32, %arg1: memref<64x16384xf32, #tpu.memory_space<vmem>>, %arg2: memref<64x16384xf32, #tpu.memory_space<vmem>>, %arg3: memref<16384x128xf32, #tpu.memory_space<vmem>>) attributes {dimension_semantics = [#tpu.dimension_semantics<parallel>], iteration_bounds = array<i64: 31>, scalar_prefetch = 0 : i64, scratch_operands = 0 : i64, tpu.core_type = #tpu.core_type<tc>, window_params = [{transform_indices = @transform_0, window_bounds = array<i64: 64, 16384>}, {transform_indices = @transform_1, window_bounds = array<i64: 64, 16384>}, {transform_indices = @transform_2, window_bounds = array<i64: 16384, 128>}]} {
    %get3A = arith.constant 0 : index
    %get3A_0 = arith.constant 0 : index
    %get3A_1 = vector.load %arg1[%get3A, %get3A_0] : memref<64x16384xf32, #tpu.memory_space<vmem>>, vector<64x16384xf32>
    %transpose3A = tpu.transpose %get3A_1, [1, 0] : vector<64x16384xf32> -> vector<16384x64xf32>
    %get3A_2 = arith.constant 0 : index
    %get3A_3 = arith.constant 0 : index
    %get3A_4 = vector.load %arg2[%get3A_2, %get3A_3] : memref<64x16384xf32, #tpu.memory_space<vmem>>, vector<64x16384xf32>
    %transpose3A_5 = tpu.transpose %get3A_4, [1, 0] : vector<64x16384xf32> -> vector<16384x64xf32>
    %concatenate3A = tpu.concatenate %transpose3A, %transpose3A_5 in 1 : vector<16384x64xf32>, vector<16384x64xf32> -> vector<16384x128xf32>
    %swap3A = arith.constant 0 : index
    %swap3A_6 = arith.constant 0 : index
    %swap3A_7 = vector.load %arg3[%swap3A, %swap3A_6] : memref<16384x128xf32, #tpu.memory_space<vmem>>, vector<16384x128xf32>
    tpu.vector_store %arg3[%swap3A, %swap3A_6], %concatenate3A {strides = array<i32>} : memref<16384x128xf32, #tpu.memory_space<vmem>>, vector<16384x128xf32>,
    return
  }
  func.func @transform_0(%arg0: i32) -> (i32, i32) {
    %mul3A = arith.constant 2 : i32
    %mul3A_0 = arith.muli %mul3A, %arg0 : i32
    %min3A = arith.constant 61 : i32
    %min3A_1 = arith.minsi %mul3A_0, %min3A : i32
    %c0_i32 = arith.constant 0 : i32
    %c0_i32_2 = arith.constant 0 : i32
    return %c0_i32, %min3A_1 : i32, i32
  }
  func.func @transform_1(%arg0: i32) -> (i32, i32) {
    %mul3A = arith.constant 2 : i32
    %mul3A_0 = arith.muli %mul3A, %arg0 : i32
    %add3A = arith.constant 1 : i32
    %add3A_1 = arith.addi %mul3A_0, %add3A : i32
    %min3A = arith.constant 61 : i32
    %min3A_2 = arith.minsi %add3A_1, %min3A : i32
    %c0_i32 = arith.constant 0 : i32
    %c0_i32_3 = arith.constant 0 : i32
    return %c0_i32, %min3A_2 : i32, i32
  }
  func.func @transform_2(%arg0: i32) -> (i32, i32) {
    %c0_i32 = arith.constant 0 : i32
    %c0_i32_0 = arith.constant 0 : i32
    return %arg0, %c0_i32 : i32, i32
  }
}

module attributes {stable_mosaic.version = 14 : i64} {
  func.func @body(%arg0: i32, %arg1: memref<4096x64xf32, #tpu.memory_space<vmem>>, %arg2: memref<64x64xf32, #tpu.memory_space<vmem>>, %arg3: memref<1x64xf32, #tpu.memory_space<vmem>>, %arg4: memref<64x256xf32, #tpu.memory_space<vmem>>, %arg5: memref<1x256xf32, #tpu.memory_space<vmem>>, %arg6: memref<4096x256xf32, #tpu.memory_space<vmem>>) attributes {dimension_semantics = [#tpu.dimension_semantics<parallel>], iteration_bounds = array<i64: 4>, scalar_prefetch = 0 : i64, scratch_operands = 0 : i64, tpu.core_type = #tpu.core_type<tc>, window_params = [{transform_indices = @transform_0, window_bounds = array<i64: 4096, 64>}, {pipeline_mode = #tpu.pipeline_mode<synchronous>, transform_indices = @transform_1, window_bounds = array<i64: 64, 64>}, {pipeline_mode = #tpu.pipeline_mode<synchronous>, transform_indices = @transform_2, window_bounds = array<i64: 1, 64>}, {pipeline_mode = #tpu.pipeline_mode<synchronous>, transform_indices = @transform_3, window_bounds = array<i64: 64, 256>}, {pipeline_mode = #tpu.pipeline_mode<synchronous>, transform_indices = @transform_4, window_bounds = array<i64: 1, 256>}, {transform_indices = @transform_5, window_bounds = array<i64: 4096, 256>}]} {
    %get3A = arith.constant 0 : index
    %get3A_0 = arith.constant 0 : index
    %get3A_1 = vector.load %arg1[%get3A, %get3A_0] : memref<4096x64xf32, #tpu.memory_space<vmem>>, vector<4096x64xf32>
    %get3A_2 = arith.constant 0 : index
    %get3A_3 = arith.constant 0 : index
    %get3A_4 = vector.load %arg2[%get3A_2, %get3A_3] : memref<64x64xf32, #tpu.memory_space<vmem>>, vector<64x64xf32>
    %dot_general3A = arith.constant dense<0.000000e+00> : vector<4096x64xf32>
    %dot_general3A_5 = tpu.matmul %get3A_1, %get3A_4, %dot_general3A {dimension_numbers = #tpu.dot_dimension_numbers<[1], [0], [0], [1], [0, 0, 1, 1], [], []>, precision = #tpu.contract_precision<fp32>, transpose_lhs_hint = false} : vector<4096x64xf32>, vector<64x64xf32>, vector<4096x64xf32> -> vector<4096x64xf32>
    %get3A_6 = arith.constant 0 : index
    %get3A_7 = arith.constant 0 : index
    %get3A_8 = vector.load %arg3[%get3A_6, %get3A_7] : memref<1x64xf32, #tpu.memory_space<vmem>>, vector<1x64xf32>
    %add3A = vector.broadcast %get3A_8 : vector<1x64xf32> to vector<4096x64xf32>
    %add3A_9 = arith.addf %dot_general3A_5, %add3A : vector<4096x64xf32>
    %max3A = arith.constant 0.000000e+00 : f32
    %max3A_10 = vector.broadcast %max3A : f32 to vector<4096x64xf32>
    %max3A_11 = arith.maximumf %add3A_9, %max3A_10 : vector<4096x64xf32>
    %get3A_12 = arith.constant 0 : index
    %get3A_13 = arith.constant 0 : index
    %get3A_14 = vector.load %arg4[%get3A_12, %get3A_13] : memref<64x256xf32, #tpu.memory_space<vmem>>, vector<64x256xf32>
    %dot_general3A_15 = arith.constant dense<0.000000e+00> : vector<4096x256xf32>
    %dot_general3A_16 = tpu.matmul %max3A_11, %get3A_14, %dot_general3A_15 {dimension_numbers = #tpu.dot_dimension_numbers<[1], [0], [0], [1], [0, 0, 1, 1], [], []>, precision = #tpu.contract_precision<fp32>, transpose_lhs_hint = false} : vector<4096x64xf32>, vector<64x256xf32>, vector<4096x256xf32> -> vector<4096x256xf32>
    %get3A_17 = arith.constant 0 : index
    %get3A_18 = arith.constant 0 : index
    %get3A_19 = vector.load %arg5[%get3A_17, %get3A_18] : memref<1x256xf32, #tpu.memory_space<vmem>>, vector<1x256xf32>
    %add3A_20 = vector.broadcast %get3A_19 : vector<1x256xf32> to vector<4096x256xf32>
    %add3A_21 = arith.addf %dot_general3A_16, %add3A_20 : vector<4096x256xf32>
    %mul3A = arith.mulf %add3A_21, %add3A_21 : vector<4096x256xf32>
    %reduce_sum3A = arith.constant dense<0.000000e+00> : vector<4096xf32>
    %reduce_sum3A_22 = vector.multi_reduction <add>, %mul3A, %reduce_sum3A [1] : vector<4096x256xf32> to vector<4096xf32>
    %broadcast_in_dim3A = vector.shape_cast %reduce_sum3A_22 : vector<4096xf32> to vector<4096x1xf32>
    %sqrt3A = math.sqrt %broadcast_in_dim3A : vector<4096x1xf32>
    %max3A_23 = arith.constant 9.99999996E-13 : f32
    %max3A_24 = vector.broadcast %max3A_23 : f32 to vector<4096x1xf32>
    %max3A_25 = arith.maximumf %sqrt3A, %max3A_24 : vector<4096x1xf32>
    %div3A = vector.broadcast %max3A_25 : vector<4096x1xf32> to vector<4096x256xf32>
    %div3A_26 = arith.divf %add3A_21, %div3A : vector<4096x256xf32>
    %swap3A = arith.constant 0 : index
    %swap3A_27 = arith.constant 0 : index
    %swap3A_28 = vector.load %arg6[%swap3A, %swap3A_27] : memref<4096x256xf32, #tpu.memory_space<vmem>>, vector<4096x256xf32>
    tpu.vector_store %arg6[%swap3A, %swap3A_27], %div3A_26 {strides = array<i32>} : memref<4096x256xf32, #tpu.memory_space<vmem>>, vector<4096x256xf32>,
    return
  }
  func.func @transform_0(%arg0: i32) -> (i32, i32) {
    %c0_i32 = arith.constant 0 : i32
    %c0_i32_0 = arith.constant 0 : i32
    return %arg0, %c0_i32 : i32, i32
  }
  func.func @transform_1(%arg0: i32) -> (i32, i32) {
    %c0_i32 = arith.constant 0 : i32
    %c0_i32_0 = arith.constant 0 : i32
    %c0_i32_1 = arith.constant 0 : i32
    return %c0_i32, %c0_i32_0 : i32, i32
  }
  func.func @transform_2(%arg0: i32) -> (i32, i32) {
    %c0_i32 = arith.constant 0 : i32
    %c0_i32_0 = arith.constant 0 : i32
    %c0_i32_1 = arith.constant 0 : i32
    return %c0_i32, %c0_i32_0 : i32, i32
  }
  func.func @transform_3(%arg0: i32) -> (i32, i32) {
    %c0_i32 = arith.constant 0 : i32
    %c0_i32_0 = arith.constant 0 : i32
    %c0_i32_1 = arith.constant 0 : i32
    return %c0_i32, %c0_i32_0 : i32, i32
  }
  func.func @transform_4(%arg0: i32) -> (i32, i32) {
    %c0_i32 = arith.constant 0 : i32
    %c0_i32_0 = arith.constant 0 : i32
    %c0_i32_1 = arith.constant 0 : i32
    return %c0_i32, %c0_i32_0 : i32, i32
  }
  func.func @transform_5(%arg0: i32) -> (i32, i32) {
    %c0_i32 = arith.constant 0 : i32
    %c0_i32_0 = arith.constant 0 : i32
    return %arg0, %c0_i32 : i32, i32
  }
}

</mosaic_0001>

<sc_bundles>
// kernel: kernel.5.cloned.1.call-start
scs
__scs_entry_jumppad:
0x0: {  	(pc) =	sbr.rel $0x88, $3  }
0x1: {  	(tag) =	ssettag $0x0;
	lr =	simm.s32 $0x1  }
0x2: {  	[smem:$0x3F9B] =	sst lr;
	_ =	strace $0xD0000000  }
0x3: {  	_ = 	snop  }
0x4: {  	_ = 	snop  }
0x5: {  	_ = 	snop  }
0x6: {  	_ = 	snop  }
0x7: {  	_ = 	snop  }
__scs_overlays_trampoline_lowered:
0x8: {  	[smem:$0x3FAA] =	sst s0  }
0x9: {  	[smem:$0x3FAB] =	sst s1  }
0xa: {  	[smem:$0x3FAC] =	sst s2  }
0xb: {  	[smem:$0x3FAD] =	sst s3  }
0xc: {  	[smem:$0x3FAE] =	sst s4  }
0xd: {  	[smem:$0x3FAF] =	sst s5  }
0xe: {  	[smem:$0x3FB0] =	sst s6  }
0xf: {  	[smem:$0x3FB1] =	sst s7  }
0x10: {  	[smem:$0x3FB2] =	sst s8  }
0x11: {  	[smem:$0x3FB3] =	sst s9;
	s0 =	simm.s32 @!p0 $0x0  }
0x12: {  	s1 =	sld [smem:$0x3F99];
	s0 =	simm.s32 @p0 $0x1  }
0x13: {  	[smem:$0x3FB4] =	sst s0;
	s0 =	simm.s32 @!p1 $0x0  }
0x14: {  	s2 =	sld [smem:$0x3F98];
	s0 =	simm.s32 @p1 $0x1  }
0x15: {  	[smem:$0x3FB5] =	sst s0;
	s0 =	simm.s32 @!p2 $0x0  }
0x16: {  	s3 =	sld [smem:$0x3FDB];
	s0 =	simm.s32 @p2 $0x1  }
0x17: {  	s4 =	simm.s32 $0x1BF5;
	[smem:$0x3FB7] =	sst s0  }
0x18: {  	s0 =	sld [smem:$0x3F9A];
	_ =	swait.ge [sflag:s4], $0x0  }
0x19: {  	s7 =	sld [smem:$0x3F9B]  }
0x1a: {  	s8 =	sadd.s32 $0xFFFFE003, lr  }
0x1b: {  	s9 =	sadd.s32 $0xFFFFFEF7, lr;
	s5 =	simm.s32 $0xFFFFFFFF;
	p2 =	slt.u32 s8, $0xFFFFF086  }
0x1c: {  	p1 =	slt.u32 s9, $0xF7A;
	s5 =	simm.s32 @!p2 $0x0  }
0x1d: {  	s5 =	simm.s32 @p1 $0x1;
	p0 =	seq.s32 s7, s2  }
0x1e: {  	s7 =	smul.u32 @!p0 $0xF7A, s2;
	p2 =	seq.s32 @!p0 s5, $0x0  }
0x1f: {  	s9 =	smul.u32 $0xF7A, s1;
	s8 =	simm.s32 @!p0 $0x1BF5;
	p2 =	por !p2, p0  }
0x20: {  	[sflag:s8] =	ssyncset.s32 @!p0 $0xFFFFF086;
	s6 =	sadd.s32 @!p0 s3, s7;
	s7 =	simm.s32 @!p0 $0x108  }
0x21: {  	s3 =	sadd.s32 s3, s9;
	s6 =	sadd.s32 @!p0 $0x88, s6;
	s7 =	simm.s32 @p2 $0x1082  }
0x22: {  	[simem:s7], [sflag:s8] =	dma.local @!p0 [hbm:s6], $0xF7A  }
0x23: {  	s9 =	sor.u32 $0xD0000000, s2;
	s6 =	simm.s32 $0x108;
	_ =	swait.ge @!p0 [sflag:s8], $0x0  }
0x24: {  	s3 =	sadd.s32 $0x88, s3;
	s6 =	simm.s32 @!p1 $0x1082;
	[sflag:s4] =	ssyncset.s32 $0xFFFFF086  }
0x25: {  	[simem:s6], [sflag:s4] =	dma.local [hbm:s3], $0xF7A  }
0x26: {  	[smem:$0x3F9B] =	sst s1;
	(tag) =	ssettag s2;
	_ =	strace s9  }
0x27: {  	s1 =	sld [smem:$0x3FAB]  }
0x28: {  	s2 =	sld [smem:$0x3FAC]  }
0x29: {  	s4 =	sld [smem:$0x3FAE]  }
0x2a: {  	p0 =	seq.s32 s5, $0x0;
	s5 =	sld [smem:$0x3FAF]  }
0x2b: {  	s6 =	sld [smem:$0x3FB0]  }
0x2c: {  	s7 =	sld [smem:$0x3FB1]  }
0x2d: {  	s3 =	simm.s32 $0x108;
	s8 =	sld [smem:$0x3FB2]  }
0x2e: {  	s3 =	simm.s32 @!p0 $0x1082;
	s9 =	sld [smem:$0x3FB3]  }
0x2f: {  	lr =	sadd.s32 s0, s3;
	s0 =	sld [smem:$0x3FAA]  }
0x30: {  	s3 =	sld [smem:$0x3FAD]  }
0x31: {  	[smem:$0x3FB6] =	sst s10  }
0x32: {  	s10 =	sld [smem:$0x3FB4];
	_ =	sdelay $0x3  }
0x33: {  	p0 =	seq.s32 s10, $0x1;
	s10 =	sld [smem:$0x3FB6];
	_ =	sdelay $0x3  }
0x34: {  	[smem:$0x3FB6] =	sst s10  }
0x35: {  	s10 =	sld [smem:$0x3FB5];
	_ =	sdelay $0x3  }
0x36: {  	p1 =	seq.s32 s10, $0x1;
	s10 =	sld [smem:$0x3FB6];
	_ =	sdelay $0x3  }
0x37: {  	[smem:$0x3FB6] =	sst s10  }
0x38: {  	s10 =	sld [smem:$0x3FB7]  }
0x39: {  	_ = 	snop;
	(pc) =	sbr.ind lr, $3  }
0x3a: {  	_ = 	snop  }
0x3b: {  	_ = 	snop  }
0x3c: {  	p2 =	seq.s32 s10, $0x1;
	s10 =	sld [smem:$0x3FB6]  }
0x3d: {  	_ =	shalt  }
0x3e: {  	_ =	shalt  }
0x3f: {  	_ =	shalt  }
0x40: {  	_ =	shalt  }
0x41: {  	_ =	shalt  }
0x42: {  	_ =	shalt  }
0x43: {  	_ =	shalt  }
0x44: {  	_ =	shalt  }
0x45: {  	_ =	shalt  }
0x46: {  	_ =	shalt  }
0x47: {  	_ =	shalt  }
0x48: {  	_ =	shalt  }
0x49: {  	_ =	shalt  }
0x4a: {  	_ =	shalt  }
0x4b: {  	_ =	shalt  }
0x4c: {  	_ =	shalt  }
0x4d: {  	_ =	shalt  }
0x4e: {  	_ =	shalt  }
0x4f: {  	_ =	shalt  }
0x50: {  	_ =	shalt  }
0x51: {  	_ =	shalt  }
0x52: {  	_ =	shalt  }
0x53: {  	_ =	shalt  }
0x54: {  	_ =	shalt  }
0x55: {  	_ =	shalt  }
0x56: {  	_ =	shalt  }
0x57: {  	_ =	shalt  }
0x58: {  	_ =	shalt  }
0x59: {  	_ =	shalt  }
0x5a: {  	_ =	shalt  }
0x5b: {  	_ =	shalt  }
0x5c: {  	_ =	shalt  }
0x5d: {  	_ =	shalt  }
0x5e: {  	_ =	shalt  }
0x5f: {  	_ =	shalt  }
0x60: {  	_ =	shalt  }
0x61: {  	_ =	shalt  }
0x62: {  	_ =	shalt  }
0x63: {  	_ =	shalt  }
0x64: {  	_ =	shalt  }
0x65: {  	_ =	shalt  }
0x66: {  	_ =	shalt  }
0x67: {  	_ =	shalt  }
0x68: {  	_ =	shalt  }
0x69: {  	_ =	shalt  }
0x6a: {  	_ =	shalt  }
0x6b: {  	_ =	shalt  }
0x6c: {  	_ =	shalt  }
0x6d: {  	_ =	shalt  }
0x6e: {  	_ =	shalt  }
0x6f: {  	_ =	shalt  }
0x70: {  	_ =	shalt  }
0x71: {  	_ =	shalt  }
0x72: {  	_ =	shalt  }
0x73: {  	_ =	shalt  }
0x74: {  	_ =	shalt  }
0x75: {  	_ =	shalt  }
0x76: {  	_ =	shalt  }
0x77: {  	_ =	shalt  }
0x78: {  	_ =	shalt  }
0x79: {  	_ =	shalt  }
0x7a: {  	_ =	shalt  }
0x7b: {  	_ =	shalt  }
0x7c: {  	_ =	shalt  }
0x7d: {  	_ =	shalt  }
0x7e: {  	_ =	shalt  }
0x7f: {  	_ =	shalt  }
0x80: {  	_ =	shalt  }
0x81: {  	_ =	shalt  }
0x82: {  	_ =	shalt  }
0x83: {  	_ =	shalt  }
0x84: {  	_ =	shalt  }
0x85: {  	_ =	shalt  }
0x86: {  	_ =	shalt  }
0x87: {  	_ =	shalt  }
.Lfunc_end0:
.L_simem_size_0:
called_computation_lowered:
.L_overlay_start_0:
0x88: {  	s2 =	sld [smem:$0x3FD9]  }
0x89: {  	s3 =	sld [smem:$0x3FFE];
	_ =	sdelay $0x1  }
0x8a: {  	s1 =	srdreg.scid  }
0x8b: {  	s0 =	sand.u32 $0x1, s1  }
0x8c: {  	s17 =	sshll.u32 s0, $0xA;
	s2 =	sadd.s32 s3, s2  }
0x8d: {  	s2 =	sadd.s32 s2, s17  }
0x8e: {  	[smem:$0x3FC2] =	sst s2  }
0x8f: {  	_ = 	snop  }
0x90: {  	s2 =	sld [smem:$0x3FD0];
	(tm) =	ssettm $0x1  }
0x91: {  	s18 =	sld [smem:$0x3FFB];
	_ =	sdelay $0x3  }
0x92: {  	_ =	strace s18  }
0x93: {  	s3 =	sld [smem:$0x3FFC];
	_ =	sdelay $0x3  }
0x94: {  	_ =	strace s3  }
0x95: {  	s3 =	sld [smem:$0x3FFD];
	_ =	sdelay $0x3  }
0x96: {  	_ =	strace s3  }
0x97: {  	_ =	strace $0x8FFFFFFF  }
0x98: {  	s19 =	sld [smem:$0x3FDB];
	_ =	sdelay $0x1  }
0x99: {  	s4 =	simm.s32 $_scs_section_size  }
0x9a: {  	s5 =	simm.s32 $_size__tile_overlayer_lowered;
	s6 =	simm.s32 $_tile_overlayer_lowered  }
0x9b: {  	s22 =	simm.s32 $0x1BFF;
	s21 =	sshll.u32 s6, $0x1;
	s3 =	sadd.s32 s4, s19  }
0x9c: {  	s7 =	simm.s32 $0x0;
	s20 =	sshll.u32 s5, $0x1;
	s5 =	sadd.s32 s21, s3  }
0x9d: {  	[timem:s7], [sflag:s22] =	dma.local [hbm:s5], s20  }
0x9e: {  	_ =	swait.ge [sflag:s22], s20  }
0x9f: {  	s4 =	ssub.s32 $0x0, s20;
	[sflag:s22] =	ssyncset.done $0x0  }
0xa0: {  	[sflag:s22] =	ssyncadd.s32 s4;
	_ =	sdelay $0x1  }
0xa1: {  	s23 =	simm.s32 $0x1B8B  }
0xa2: {  	_ =	swait.ge [sflag:s23], $0x1  }
0xa3: {  	[sflag:s23] =	ssyncset.done $0x0  }
0xa4: {  	s25 =	simm.s32 $0x1B8E;
	s24 =	sld [smem:$0x3FFE];
	[sflag:s23] =	ssyncadd.s32 $0xFFFFFFFF  }
0xa5: {  	s26 =	simm.s32 $execute0_lowered;
	[smem:$0x3FD2] =	sst s25  }
0xa6: {  	s5 =	sshll.u32 s26, $0x1;
	_ =	strace $0x80000046;
	[dreg:$0x1] =	wrdreg $0xFFFFFFFF  }
0xa7: {  	s28 =	simm.s32 $_size_execute0_lowered;
	s3 =	sadd.s32 s3, s5;
	[dreg:$0x0] =	wrdreg $0x0  }
0xa8: {  	s5 =	sshll.u32 s28, $0x1;
	[dreg:$0x2] =	wrdreg s3  }
0xa9: {  	[dreg:$0x3] =	wrdreg s5  }
0xaa: {  	[dreg:$0x4] =	wrdreg $0xC0  }
0xab: {  	_ =	task [dreg:s7], $0x5FFFF  }
0xac: {  	[dreg:$0x1] =	wrdreg $0xFFFFFFFF  }
0xad: {  	[dreg:$0x0] =	wrdreg $0x60  }
0xae: {  	[dreg:$0x2] =	wrdreg s24  }
0xaf: {  	[dreg:$0x3] =	wrdreg s2  }
0xb0: {  	[dreg:$0x4] =	wrdreg $0xC8000  }
0xb1: {  	[dreg:$0x5] =	wrdreg $0x9  }
0xb2: {  	_ =	task.clear_ibuf [dreg:s7], $0x6FFFF;
	_ =	strace $0x90000046  }
0xb3: {  	s29 =	simm.s32 $0x9;
	_ =	strace $0x80000048  }
0xb4: {  	_ =	swait.ge [sflag:s29], $0x1  }
0xb5: {  	[sflag:s29] =	ssyncadd.s32 $0xFFFFFFFF  }
0xb6: {  	_ =	strace $0x90000048  }
0xb7: {  	_ =	sfence  }
0xb8: {  	s30 =	sld [smem:$0x0];
	_ =	sdelay $0x2  }
0xb9: {  	s31 =	sshll.u32 s1, $0xD;
	s1 =	sshrl.u32 s1, $0x2  }
0xba: {  	s3 =	sand.u32 $0x4000, s31;
	s1 =	sadd.s32 s1, s30  }
0xbb: {  	s0 =	sor.u32 s3, s0;
	s1 =	sshll.u32 s1, $0x11  }
0xbc: {  	s0 =	sor.u32 s1, s0  }
0xbd: {  	s0 =	sadd.s32 $0x8F2B, s0  }
0xbe: {  	[sflag:s0] =	ssyncadd.remote.s32 $0x1  }
0xbf: {  	_ =	sfence.sel $0xFFFF  }
0xc0: {  	[dreg:$0x0] =	wrdreg $0xFFFFFFFF;
	(pc) =	sbr.abs _section_cstart, $3  }
0xc1: {  	[dreg:$0x1] =	wrdreg $0xFFFFFFFF  }
0xc2: {  	_ =	task.clear_ibuf [dreg:s7], $0x2FFFF;
	_ =	strace $0x9FFFFFFF  }
0xc3: {  	(tm) =	ssettm $0x7FFFFFFF  }
tec
execute0_lowered:
.L_overlay_start_1:
0x0: {  	(tag) =	ssettag $0x1  }
0x1: {  	s4 =	rddreg [dreg:$0x0]  }
0x2: {  	s0 =	srdreg.scid;
	s8 =	rddreg [dreg:$0x1]  }
0x3: {  	s5 =	rddreg [dreg:$0x2];
	s2 =	simm.s32 $0x0;
	s12 =	simm.s32 $0x14800  }
0x4: {  	s13 =	simm.s32 $0x100;
	s14 =	simm.s32 $0x18800;
	s15 =	simm.s32 $0x1  }
0x5: {  	s16 =	simm.s32 $0x2;
	s17 =	simm.s32 $0xC600;
	s18 =	simm.s32 $0xC700  }
0x6: {  	s21 =	simm.s32 $0x0;
	s3 =	sand.u32 $0x1, s0;
	s0 =	stileid.u32  }
0x7: {  	[smem:$0x7FF] =	sst s2;
	s1 =	sshll.u32 s3, $0x4;
	s7 =	ssub.s32 $0x2, s3  }
0x8: {  	s3 =	sadd.s32 $0x7D9C00, s4;
	s11 =	sshll.u32 s0, $0xF;
	s19 =	sshll.u32 s0, $0x6  }
0x9: {  	s9 =	sor.u32 s0, s1;
	s1 =	rddreg [dreg:$0x3];
	_ =	strace $0x80000047  }
0xa: {  	s10 =	sshrl.u32 s7, $0x1;
	s5 =	sadd.s32 s11, s5;
	s11 =	simm.s32 $0x6400  }
0xb: {  	s19 =	sor.u32 $0x1C03, s19;
	s6 =	smul.u32 $0xC80, s9;
	s10 =	ssub.s32 s7, s10  }
0xc: {  	s7 =	sadd.s32 $0x4000, s5;
	s9 =	sshll.u32 s9, $0xC;
	s20 =	sshrl.u32 s5, $0x3  }
0xd: {  	s8 =	sadd.s32 s8, s9;
	s9 =	smax.u32 s10, $0x1;
	s6 =	sadd.s32 s6, s4  }
0xe: {  	v0 =	vimm.f32 $0.0e+00;
	s10 =	simm.s32 $0x3;
	s4 =	sadd.s32 $0x19C00, s4;
	s6 =	sadd.s32 $0xC00, s6  }
.LBB2_1:
0xf: {  	[tilespmem:s2], [sflag:$0x3] =	stream.linear.gather [hbm4b:s6+s2], $0x6400, $0x38;
	[tilespmem:$0x1C800] =	vst v63  }
0x10: {  	_ =	swait.ge [sflag:s10], $0x6400  }
0x11: {  	[sflag:s10] =	ssyncset.done $0x0  }
0x12: {  	[sflag:s10] =	ssyncadd.s32 $0xFFFF9C00  }
0x13: {  	[tilespmem:s11], [sflag:$0x3] =	stream.linear.gather [hbm4b:s3+s2], $0x6400, $0x38;
	[tilespmem:$0x1C800] =	vst v63  }
0x14: {  	_ =	swait.ge [sflag:s10], $0x6400  }
0x15: {  	[sflag:s10] =	ssyncset.done $0x0  }
0x16: {  	s23 =	simm.s32 $0x100;
	s22 =	simm.s32 $0x0;
	[sflag:s10] =	ssyncadd.s32 $0xFFFF9C00  }
.LBB2_2:
0x17: {  	p0 =	sne.s32 s23, $0xFF00;
	[tilespmem:s22+$0x14830] =	vst v0;
	s24 =	smov.u32 s23;
	s23 =	sadd.s32 $0x100, s23  }
.Ltmp0:
0x18: {  	[tilespmem:s22+$0x14820] =	vst v0;
	(pc) =	sbr.rel @p0 .LBB2_2-.Ltmp0, $3  }
0x19: {  	[tilespmem:s22+$0x14800] =	vst v0  }
0x1a: {  	[tilespmem:s22+$0x14810] =	vst v0;
	_ =	sdelay $0x1  }
0x1b: {  	s22 =	sshra.s32 s24, $0x2  }
0x1c: {  	[tilespmem:s22+$0x14830] =	vst v0  }
0x1d: {  	[tilespmem:s22+$0x14820] =	vst v0  }
0x1e: {  	[tilespmem:s22+$0x14800] =	vst v0  }
0x1f: {  	[tilespmem:s22+$0x14810] =	vst v0  }
0x20: {  	[spmem:s5] =	stream.linear.scatter [tilespmem:s12], [sflag:$0x3], $0x4000, $0x38;
	[tilespmem:$0x1C800] =	vst v63  }
0x21: {  	_ =	swait.ge [sflag:s10], $0x4000  }
0x22: {  	[sflag:s10] =	ssyncset.done $0x0  }
0x23: {  	[sflag:s10] =	ssyncadd.s32 $0xFFFFC000  }
0x24: {  	[spmem:s7] =	stream.linear.scatter [tilespmem:s12], [sflag:$0x3], $0x4000, $0x38;
	[tilespmem:$0x1C800] =	vst v63  }
0x25: {  	_ =	swait.ge [sflag:s10], $0x4000  }
0x26: {  	[sflag:s10] =	ssyncset.done $0x0  }
0x27: {  	s28 =	simm.s32 $0x0;
	[sflag:s10] =	ssyncadd.s32 $0xFFFFC000  }
0x28: {  	[tilespmem:s12], [sflag:$0x1] =	stream.indirect.gather [hbm4b:s4+s13], $0x40, s28, s13, $0xb8;
	[tilespmem:$0x1C800] =	vst v63  }
0x29: {  	_ = 	snop  }
0x2a: {  	[tilespmem:s14], [sflag:$0x2] =	stream.indirect.gather [hbm4b:s4+s13], $0x40, s13, s13, $0xb8;
	[tilespmem:$0x1C800] =	vst v63  }
0x2b: {  	_ =	swait.ge [sflag:s15], $0x4000  }
0x2c: {  	[sflag:s15] =	ssyncset.done $0x0  }
0x2d: {  	s29 =	simm.s32 $0x6400;
	[sflag:s15] =	ssyncadd.s32 $0xFFFFC000  }
0x2e: {  	[spmem:s5] =	stream.indirect.scatter.add.f32 [tilespmem:s12], [sflag:$0x3], $0x40, s29, s13, $0xb8;
	[tilespmem:$0x1C800] =	vst v63  }
0x2f: {  	_ =	swait.ge [sflag:s10], $0x4000  }
0x30: {  	[sflag:s10] =	ssyncset.done $0x0  }
0x31: {  	s30 =	simm.s32 $0x200;
	[sflag:s10] =	ssyncadd.s32 $0xFFFFC000  }
0x32: {  	[tilespmem:s12], [sflag:$0x1] =	stream.indirect.gather [hbm4b:s4+s13], $0x40, s30, s13, $0xb8;
	[tilespmem:$0x1C800] =	vst v63  }
0x33: {  	_ =	swait.ge [sflag:s16], $0x4000  }
0x34: {  	[sflag:s16] =	ssyncset.done $0x0  }
0x35: {  	s31 =	simm.s32 $0x6500;
	[sflag:s16] =	ssyncadd.s32 $0xFFFFC000  }
0x36: {  	[spmem:s5] =	stream.indirect.scatter.add.f32 [tilespmem:s14], [sflag:$0x3], $0x40, s31, s13, $0xb8;
	[tilespmem:$0x1C800] =	vst v63  }
0x37: {  	_ =	swait.ge [sflag:s10], $0x4000  }
0x38: {  	[sflag:s10] =	ssyncset.done $0x0  }
0x39: {  	s22 =	simm.s32 $0x800;
	s23 =	simm.s32 $0x300;
	[sflag:s10] =	ssyncadd.s32 $0xFFFFC000  }
.LBB2_4:
0x3a: {  	[tilespmem:s14], [sflag:$0x2] =	stream.indirect.gather [hbm4b:s4+s13], $0x40, s23, s13, $0xb8;
	[tilespmem:$0x1C800] =	vst v63  }
0x3b: {  	s23 =	smov.u32 s22  }
0x3c: {  	p0 =	sne.s32 s22, $0x18000;
	s22 =	sadd.s32 $0x800, s22;
	_ =	swait.ge [sflag:s15], $0x4000  }
0x3d: {  	s23 =	sshra.s32 s23, $0x2;
	[sflag:s15] =	ssyncset.done $0x0  }
0x3e: {  	s24 =	sadd.s32 $0x6400, s23;
	[sflag:s15] =	ssyncadd.s32 $0xFFFFC000  }
0x3f: {  	[spmem:s5] =	stream.indirect.scatter.add.f32 [tilespmem:s12], [sflag:$0x3], $0x40, s24, s13, $0xb8;
	[tilespmem:$0x1C800] =	vst v63  }
0x40: {  	_ =	swait.ge [sflag:s10], $0x4000  }
0x41: {  	[sflag:s10] =	ssyncset.done $0x0  }
0x42: {  	s24 =	sadd.s32 $0x200, s23;
	[sflag:s10] =	ssyncadd.s32 $0xFFFFC000  }
0x43: {  	[tilespmem:s12], [sflag:$0x1] =	stream.indirect.gather [hbm4b:s4+s13], $0x40, s24, s13, $0xb8;
	[tilespmem:$0x1C800] =	vst v63  }
0x44: {  	_ =	swait.ge [sflag:s16], $0x4000  }
0x45: {  	[sflag:s16] =	ssyncset.done $0x0  }
.Ltmp1:
0x46: {  	s24 =	sadd.s32 $0x6500, s23;
	[sflag:s16] =	ssyncadd.s32 $0xFFFFC000;
	(pc) =	sbr.rel @p0 .LBB2_4-.Ltmp1, $4  }
0x47: {  	[spmem:s5] =	stream.indirect.scatter.add.f32 [tilespmem:s14], [sflag:$0x3], $0x40, s24, s13, $0xb8;
	[tilespmem:$0x1C800] =	vst v63  }
0x48: {  	_ =	swait.ge [sflag:s10], $0x4000  }
0x49: {  	[sflag:s10] =	ssyncset.done $0x0  }
0x4a: {  	s23 =	sadd.s32 $0x300, s23;
	[sflag:s10] =	ssyncadd.s32 $0xFFFFC000  }
0x4b: {  	[tilespmem:s14], [sflag:$0x2] =	stream.indirect.gather [hbm4b:s4+s13], $0x40, s23, s13, $0xb8;
	[tilespmem:$0x1C800] =	vst v63  }
0x4c: {  	_ =	swait.ge [sflag:s15], $0x4000  }
0x4d: {  	[sflag:s15] =	ssyncset.done $0x0  }
0x4e: {  	[sflag:s15] =	ssyncadd.s32 $0xFFFFC000  }
0x4f: {  	[spmem:s5] =	stream.indirect.scatter.add.f32 [tilespmem:s12], [sflag:$0x3], $0x40, s17, s13, $0xb8;
	[tilespmem:$0x1C800] =	vst v63  }
0x50: {  	_ =	swait.ge [sflag:s10], $0x4000  }
0x51: {  	[sflag:s10] =	ssyncset.done $0x0  }
0x52: {  	[sflag:s10] =	ssyncadd.s32 $0xFFFFC000  }
0x53: {  	_ =	swait.ge [sflag:s16], $0x4000  }
0x54: {  	[sflag:s16] =	ssyncset.done $0x0  }
0x55: {  	[sflag:s16] =	ssyncadd.s32 $0xFFFFC000  }
0x56: {  	[spmem:s5] =	stream.indirect.scatter.add.f32 [tilespmem:s14], [sflag:$0x3], $0x40, s18, s13, $0xb8;
	[tilespmem:$0x1C800] =	vst v63  }
0x57: {  	s21 =	sadd.s32 $0x1, s21;
	_ =	swait.ge [sflag:s10], $0x4000  }
0x58: {  	p0 =	sne.s32 s21, s9;
	[sflag:s10] =	ssyncset.done $0x0  }
.Ltmp2:
0x59: {  	[sflag:s10] =	ssyncadd.s32 $0xFFFFC000;
	(pc) =	sbr.rel @p0 .LBB2_1-.Ltmp2, $4  }
0x5a: {  	[hbm:s8], [sflag:s19] =	dma.local [spmem:s20], $0x1000  }
0x5b: {  	_ =	swait.ge [sflag:s10], $0x1000  }
0x5c: {  	[sflag:s10] =	ssyncset.done $0x0  }
0x5d: {  	[sflag:s10] =	ssyncadd.s32 $0xFFFFF000  }
0x5e: {  	_ =	sfence.sel $0x180000  }
0x5f: {  	[bflag:$0x0] =	sbarrier.arrive $0xFFFF  }
0x60: {  	p0 =	sne.s32 s0, $0x0;
	_ =	strace $0x90000047  }
0x61: {  	s0 =	sadd.s32 @!p0 $0x100000, s1;
	[bflag:$0x2] =	sbarrier.arrive $0xFFFF  }
0x62: {  	[sflag:s0] =	ssyncadd.tile.s32 @!p0 $0x1;
	_ =	shalt  }
.Lfunc_end2:
_tile_overlayer_lowered:
.L_overlay_start_2:
0x63: {  	(tag) =	ssettag $0x2  }
0x64: {  	s0 =	rddreg [dreg:$0x0];
	s2 =	stileid.u32  }
0x65: {  	s1 =	rddreg [dreg:$0x1];
	p0 =	sne.s32 s2, $0x0  }
0x66: {  	s3 =	rddreg [dreg:$0x2];
	[bflag:$0x3] =	sbarrier.arrive $0xFFFF;
	s2 =	simm.s32 @!p0 $0x1C03  }
0x67: {  	[timem:s3], [sflag:s2] =	dma.local @!p0 [hbm:s0], s1  }
0x68: {  	s0 =	simm.s32 @!p0 $0x3  }
0x69: {  	_ =	swait.ge @!p0 [sflag:s0], s1  }
0x6a: {  	s1 =	ssub.s32 @!p0 $0x0, s1;
	[sflag:s0] =	ssyncset.done @!p0 $0x0  }
0x6b: {  	[sflag:s0] =	ssyncadd.s32 @!p0 s1  }
0x6c: {  	[bflag:$0x3] =	sbarrier.arrive $0xFFFF  }
0x6d: {  	_ =	shalt  }

</sc_bundles>
